<compile_context>
chip_gen: v7x
topology: tpu7x:2x2x1
jax: 0.10.2.dev20260603
libtpu: 0.0.44.dev20260713+nightly
codegen_flags: <defaults>
</compile_context>

<pallas_src>
import functools

import jax
import jax.numpy as jnp
from jax import lax
from jax.experimental import pallas as pl
from jax.experimental.pallas import tpu as pltpu
from jax.experimental.pallas import tpu_sc as plsc

B = 16384
NUM_T = 1000
NUM_T_PAD = 1024
NUM_L = 16

NC = 2
NS = 16
L = 16
NW = NC * NS
BPW = B // NW

_mesh = plsc.VectorSubcoreMesh(core_axis_name="c", subcore_axis_name="s")


@functools.partial(
    pl.kernel,
    out_type=jax.ShapeDtypeStruct((B, 2), jnp.float32),
    mesh=_mesh,
    compiler_params=pltpu.CompilerParams(
        needs_layout_passes=False,
        disable_bounds_checks=True,
        disable_semaphore_checks=True,
    ),
    scratch_types=[
        pltpu.VMEM((BPW,), jnp.int32),
        pltpu.VMEM((BPW,), jnp.int32),
        pltpu.VMEM((NUM_T_PAD,), jnp.float32),
        pltpu.VMEM((NUM_L,), jnp.float32),
        pltpu.VMEM((BPW, 2), jnp.float32),
        pltpu.SemaphoreType.DMA,
        pltpu.SemaphoreType.DMA,
        pltpu.SemaphoreType.DMA,
        pltpu.SemaphoreType.DMA,
    ],
)
def _encode(ts_hbm, ul_hbm, ttab_hbm, ltab_hbm, out_hbm,
            tidx_v, lidx_v, ttab_v, ltab_v, out_v,
            sem0, sem1, sem2, sem3):
    cid = lax.axis_index("c")
    sid = lax.axis_index("s")
    base = (cid * NS + sid) * BPW

    with jax.named_scope("stage"):
        cp0 = pltpu.async_copy(ttab_hbm, ttab_v.at[pl.ds(0, NUM_T)], sem0)
        cp1 = pltpu.async_copy(ltab_hbm, ltab_v, sem1)
        cp2 = pltpu.async_copy(ts_hbm.at[pl.ds(base, BPW)], tidx_v, sem2)
        cp3 = pltpu.async_copy(ul_hbm.at[pl.ds(base, BPW)], lidx_v, sem3)
        cp0.wait()
        cp1.wait()
        cp2.wait()
        cp3.wait()

    lane = lax.iota(jnp.int32, L)
    col0 = jnp.zeros((L,), jnp.int32)
    col1 = jnp.ones((L,), jnp.int32)

    with jax.named_scope("gather"):
        @plsc.parallel_loop(0, BPW, step=L, unroll=32)
        def _(i):
            ti = tidx_v[pl.ds(i, L)]
            li = lidx_v[pl.ds(i, L)]
            tv = plsc.load_gather(ttab_v, [ti])
            lv = plsc.load_gather(ltab_v, [li])
            row = lane + i
            plsc.store_scatter(out_v, [row, col0], tv)
            plsc.store_scatter(out_v, [row, col1], lv)

    with jax.named_scope("writeback"):
        pltpu.sync_copy(out_v, out_hbm.at[pl.ds(base, BPW)])


def kernel(timestep, unet_layer, normalized_timesteps, normalized_unet_layers):
    return _encode(timestep, unet_layer, normalized_timesteps,
                   normalized_unet_layers)

# --- scband reference (transcript-rebuilt; emitter-appended) ---
"""Pipeline reference for scband-basic-encoder-44452911513841 (READ-ONLY COPY).

The authoritative reference and input builder live on the scoring server;
editing this copy changes nothing except your own understanding.
"""

import jax, jax.numpy as jnp
import numpy as np

B = 16384
NUM_T = 1000
NUM_L = 16


def setup_inputs(seed: int = 0) -> dict:
    key = jax.random.key(seed)
    k1, k2 = jax.random.split(key)
    timestep = jax.random.randint(k1, (B,), 0, NUM_T, dtype=jnp.int32)
    unet_layer = jax.random.randint(k2, (B,), 0, NUM_L, dtype=jnp.int32)
    # learned parameters, initialized exactly as in __init__
    normalized_timesteps = jnp.arange(NUM_T, dtype=jnp.float32) / (NUM_T - 1) * 2 - 1
    normalized_unet_layers = jnp.arange(NUM_L, dtype=jnp.float32) / (NUM_L - 1) * 2 - 1
    return {
        "timestep": timestep,
        "unet_layer": unet_layer,
        "normalized_timesteps": normalized_timesteps,
        "normalized_unet_layers": normalized_unet_layers,
    }


def reference(timestep, unet_layer, normalized_timesteps, normalized_unet_layers):
    # torch.stack([t_tab[timestep.long()], l_tab[unet_layer.long()]]).T
    t_enc = jnp.take(normalized_timesteps, timestep, axis=0)
    l_enc = jnp.take(normalized_unet_layers, unet_layer, axis=0)
    normalized_input = jnp.stack([t_enc, l_enc]).T  # [B, 2]
    return normalized_input

if __name__ == "__main__":
    import jax
    _d = setup_inputs()
    print(jax.jit(kernel)(*tuple(_d.values())))

</pallas_src>

<mosaic_0001>
#map = affine_map<(d0, d1) -> (0)>
#map1 = affine_map<(d0, d1) -> (0, 0)>
module attributes {stable_mosaic.version = 14 : i64} {
  func.func @_encode(%arg0: i32, %arg1: i32, %arg2: memref<16384xi32, #tpu.memory_space<hbm>>, %arg3: memref<16384xi32, #tpu.memory_space<hbm>>, %arg4: memref<1000xf32, #tpu.memory_space<hbm>>, %arg5: memref<16xf32, #tpu.memory_space<hbm>>, %arg6: memref<16384x2xf32, #tpu.memory_space<hbm>>, %arg7: memref<512xi32, #tpu.memory_space<vmem>>, %arg8: memref<512xi32, #tpu.memory_space<vmem>>, %arg9: memref<1024xf32, #tpu.memory_space<vmem>>, %arg10: memref<16xf32, #tpu.memory_space<vmem>>, %arg11: memref<512x2xf32, #tpu.memory_space<vmem>>, %arg12: memref<!tpu.dma_semaphore, #tpu.memory_space<semaphore_mem>>, %arg13: memref<!tpu.dma_semaphore, #tpu.memory_space<semaphore_mem>>, %arg14: memref<!tpu.dma_semaphore, #tpu.memory_space<semaphore_mem>>, %arg15: memref<!tpu.dma_semaphore, #tpu.memory_space<semaphore_mem>>) attributes {dimension_semantics = [#tpu.dimension_semantics<core_parallel>, #tpu.dimension_semantics<subcore_parallel>], iteration_bounds = array<i64: 2, 16>, scalar_prefetch = 0 : i64, scratch_operands = 9 : i64, tpu.core_type = #tpu.core_type<sc_vector_subcore>, window_params = [{transform_indices = #map}, {transform_indices = #map}, {transform_indices = #map}, {transform_indices = #map}, {transform_indices = #map1}]} {
    %mul3A = arith.constant 16 : i32
    %mul3A_0 = arith.muli %arg0, %mul3A : i32
    %add3A = arith.addi %mul3A_0, %arg1 : i32
    %mul3A_1 = arith.constant 512 : i32
    %mul3A_2 = arith.muli %add3A, %mul3A_1 : i32
    "tpu.trace_start"() <{level = 10 : i32, message = "stage"}> : () -> ()
    %dma_start3A = arith.constant 0 : i32
    %dma_start3A_3 = tpu.memref_slice %arg9[%dma_start3A] : memref<1024xf32, #tpu.memory_space<vmem>> -> memref<1000xf32, #tpu.memory_space<vmem>>
    %dma_start3A_4 = arith.constant 0 : i32
    %dma_start3A_5 = tpu.memref_slice %arg9[%dma_start3A_4] : memref<1024xf32, #tpu.memory_space<vmem>> -> memref<1000xf32, #tpu.memory_space<vmem>>
    tpu.enqueue_dma source(%arg4 : memref<1000xf32, #tpu.memory_space<hbm>>) target(%dma_start3A_5 : memref<1000xf32, #tpu.memory_space<vmem>>) target_semaphore(%arg12 : memref<!tpu.dma_semaphore, #tpu.memory_space<semaphore_mem>>)
    tpu.enqueue_dma source(%arg5 : memref<16xf32, #tpu.memory_space<hbm>>) target(%arg10 : memref<16xf32, #tpu.memory_space<vmem>>) target_semaphore(%arg13 : memref<!tpu.dma_semaphore, #tpu.memory_space<semaphore_mem>>)
    %dma_start3A_6 = tpu.memref_slice %arg2[%mul3A_2] : memref<16384xi32, #tpu.memory_space<hbm>> -> memref<512xi32, #tpu.memory_space<hbm>>
    %dma_start3A_7 = tpu.memref_slice %arg2[%mul3A_2] : memref<16384xi32, #tpu.memory_space<hbm>> -> memref<512xi32, #tpu.memory_space<hbm>>
    tpu.enqueue_dma source(%dma_start3A_7 : memref<512xi32, #tpu.memory_space<hbm>>) target(%arg7 : memref<512xi32, #tpu.memory_space<vmem>>) target_semaphore(%arg14 : memref<!tpu.dma_semaphore, #tpu.memory_space<semaphore_mem>>)
    %dma_start3A_8 = tpu.memref_slice %arg3[%mul3A_2] : memref<16384xi32, #tpu.memory_space<hbm>> -> memref<512xi32, #tpu.memory_space<hbm>>
    %dma_start3A_9 = tpu.memref_slice %arg3[%mul3A_2] : memref<16384xi32, #tpu.memory_space<hbm>> -> memref<512xi32, #tpu.memory_space<hbm>>
    tpu.enqueue_dma source(%dma_start3A_9 : memref<512xi32, #tpu.memory_space<hbm>>) target(%arg8 : memref<512xi32, #tpu.memory_space<vmem>>) target_semaphore(%arg15 : memref<!tpu.dma_semaphore, #tpu.memory_space<semaphore_mem>>)
    %dma_wait3A = arith.constant 0 : i32
    %dma_wait3A_10 = tpu.memref_slice %arg9[%dma_wait3A] : memref<1024xf32, #tpu.memory_space<vmem>> -> memref<1000xf32, #tpu.memory_space<vmem>>
    %dma_wait3A_11 = arith.constant 0 : i32
    %dma_wait3A_12 = tpu.memref_slice %arg9[%dma_wait3A_11] : memref<1024xf32, #tpu.memory_space<vmem>> -> memref<1000xf32, #tpu.memory_space<vmem>>
    tpu.wait_dma2 semaphore(%arg12 : memref<!tpu.dma_semaphore, #tpu.memory_space<semaphore_mem>>) src(%arg4 : memref<1000xf32, #tpu.memory_space<hbm>>) dst(%dma_wait3A_12 : memref<1000xf32, #tpu.memory_space<vmem>>)
    tpu.wait_dma2 semaphore(%arg13 : memref<!tpu.dma_semaphore, #tpu.memory_space<semaphore_mem>>) src(%arg5 : memref<16xf32, #tpu.memory_space<hbm>>) dst(%arg10 : memref<16xf32, #tpu.memory_space<vmem>>)
    %dma_wait3A_13 = tpu.memref_slice %arg2[%mul3A_2] : memref<16384xi32, #tpu.memory_space<hbm>> -> memref<512xi32, #tpu.memory_space<hbm>>
    %dma_wait3A_14 = tpu.memref_slice %arg2[%mul3A_2] : memref<16384xi32, #tpu.memory_space<hbm>> -> memref<512xi32, #tpu.memory_space<hbm>>
    tpu.wait_dma2 semaphore(%arg14 : memref<!tpu.dma_semaphore, #tpu.memory_space<semaphore_mem>>) src(%dma_wait3A_14 : memref<512xi32, #tpu.memory_space<hbm>>) dst(%arg7 : memref<512xi32, #tpu.memory_space<vmem>>)
    %dma_wait3A_15 = tpu.memref_slice %arg3[%mul3A_2] : memref<16384xi32, #tpu.memory_space<hbm>> -> memref<512xi32, #tpu.memory_space<hbm>>
    %dma_wait3A_16 = tpu.memref_slice %arg3[%mul3A_2] : memref<16384xi32, #tpu.memory_space<hbm>> -> memref<512xi32, #tpu.memory_space<hbm>>
    tpu.wait_dma2 semaphore(%arg15 : memref<!tpu.dma_semaphore, #tpu.memory_space<semaphore_mem>>) src(%dma_wait3A_16 : memref<512xi32, #tpu.memory_space<hbm>>) dst(%arg8 : memref<512xi32, #tpu.memory_space<vmem>>)
    "tpu.trace_stop"() : () -> ()
    %iota3A = tpu.iota {dimensions = array<i32: 0>} : vector<16xi32>
    %broadcast_in_dim3A = arith.constant 0 : i32
    %broadcast_in_dim3A_17 = vector.broadcast %broadcast_in_dim3A : i32 to vector<16xi32>
    %broadcast_in_dim3A_18 = arith.constant 1 : i32
    %broadcast_in_dim3A_19 = vector.broadcast %broadcast_in_dim3A_18 : i32 to vector<16xi32>
    %parallel_loop3A = arith.constant 0 : i32
    %parallel_loop3A_20 = arith.constant 512 : i32
    %parallel_loop3A_21 = arith.constant 16 : i32
    "tpu.trace_start"() <{level = 10 : i32, message = "gather"}> : () -> ()
    scf.for %parallel_loop3A_22 = %parallel_loop3A to %parallel_loop3A_20 step %parallel_loop3A_21  : i32 {
      %parallel_loop3A_23 = arith.index_cast %parallel_loop3A_22 : i32 to index
      %parallel_loop3A_24 = tpu.vector_load %arg7[%parallel_loop3A_23] {strides = array<i32>} : memref<512xi32, #tpu.memory_space<vmem>>, vector<16xi32>,
      %parallel_loop3A_25 = arith.index_cast %parallel_loop3A_22 : i32 to index
      %parallel_loop3A_26 = tpu.vector_load %arg8[%parallel_loop3A_25] {strides = array<i32>} : memref<512xi32, #tpu.memory_space<vmem>>, vector<16xi32>,
      %parallel_loop3A_27 = tpu.vector_load_idx %arg9[%parallel_loop3A_24] : memref<1024xf32, #tpu.memory_space<vmem>>[vector<16xi32>], vector<16xf32>,
      %parallel_loop3A_28 = tpu.vector_load_idx %arg10[%parallel_loop3A_26] : memref<16xf32, #tpu.memory_space<vmem>>[vector<16xi32>], vector<16xf32>,
      %parallel_loop3A_29 = vector.broadcast %parallel_loop3A_22 : i32 to vector<16xi32>
      %parallel_loop3A_30 = arith.addi %iota3A, %parallel_loop3A_29 : vector<16xi32>
      tpu.vector_store_idx %arg11[%parallel_loop3A_30, %broadcast_in_dim3A_17], %parallel_loop3A_27 : memref<512x2xf32, #tpu.memory_space<vmem>>[vector<16xi32>, vector<16xi32>], vector<16xf32>,
      tpu.vector_store_idx %arg11[%parallel_loop3A_30, %broadcast_in_dim3A_19], %parallel_loop3A_28 : memref<512x2xf32, #tpu.memory_space<vmem>>[vector<16xi32>, vector<16xi32>], vector<16xf32>,
    } {sc.loop_unroll_factor = 32 : i64, sc.parallel_access}
    "tpu.trace_stop"() : () -> ()
    "tpu.trace_start"() <{level = 10 : i32, message = "writeback"}> : () -> ()
    "tpu.region"() ({
      %run_scoped3A = tpu.sem_alloc : memref<!tpu.dma_semaphore, #tpu.memory_space<semaphore_mem>>
      %dma_start3A_22 = arith.constant 0 : i32
      %dma_start3A_23 = tpu.memref_slice %arg6[%mul3A_2, %dma_start3A_22] : memref<16384x2xf32, #tpu.memory_space<hbm>> -> memref<512x2xf32, #tpu.memory_space<hbm>>
      %dma_start3A_24 = arith.constant 0 : i32
      %dma_start3A_25 = tpu.memref_slice %arg6[%mul3A_2, %dma_start3A_24] : memref<16384x2xf32, #tpu.memory_space<hbm>> -> memref<512x2xf32, #tpu.memory_space<hbm>>
      tpu.enqueue_dma source(%arg11 : memref<512x2xf32, #tpu.memory_space<vmem>>) target(%dma_start3A_25 : memref<512x2xf32, #tpu.memory_space<hbm>>) target_semaphore(%run_scoped3A : memref<!tpu.dma_semaphore, #tpu.memory_space<semaphore_mem>>)
      %dma_wait3A_26 = arith.constant 0 : i32
      %dma_wait3A_27 = tpu.memref_slice %arg6[%mul3A_2, %dma_wait3A_26] : memref<16384x2xf32, #tpu.memory_space<hbm>> -> memref<512x2xf32, #tpu.memory_space<hbm>>
      %dma_wait3A_28 = arith.constant 0 : i32
      %dma_wait3A_29 = tpu.memref_slice %arg6[%mul3A_2, %dma_wait3A_28] : memref<16384x2xf32, #tpu.memory_space<hbm>> -> memref<512x2xf32, #tpu.memory_space<hbm>>
      tpu.wait_dma2 semaphore(%run_scoped3A : memref<!tpu.dma_semaphore, #tpu.memory_space<semaphore_mem>>) src(%arg11 : memref<512x2xf32, #tpu.memory_space<vmem>>) dst(%dma_wait3A_29 : memref<512x2xf32, #tpu.memory_space<hbm>>)
      tpu.yield
    }) : () -> ()
    "tpu.trace_stop"() : () -> ()
    return
  }
}

</mosaic_0001>

<sc_bundles>
// kernel: kernel.3.cloned.1.call-start
scs
__scs_entry_jumppad:
0x0: {  	(pc) =	sbr.rel $0x88, $3  }
0x1: {  	(tag) =	ssettag $0x0;
	lr =	simm.s32 $0x1  }
0x2: {  	[smem:$0x3F9D] =	sst lr;
	_ =	strace $0xD0000000  }
0x3: {  	_ = 	snop  }
0x4: {  	_ = 	snop  }
0x5: {  	_ = 	snop  }
0x6: {  	_ = 	snop  }
0x7: {  	_ = 	snop  }
__scs_overlays_trampoline_lowered:
0x8: {  	[smem:$0x3FAC] =	sst s0  }
0x9: {  	[smem:$0x3FAD] =	sst s1  }
0xa: {  	[smem:$0x3FAE] =	sst s2  }
0xb: {  	[smem:$0x3FAF] =	sst s3  }
0xc: {  	[smem:$0x3FB0] =	sst s4  }
0xd: {  	[smem:$0x3FB1] =	sst s5  }
0xe: {  	[smem:$0x3FB2] =	sst s6  }
0xf: {  	[smem:$0x3FB3] =	sst s7  }
0x10: {  	[smem:$0x3FB4] =	sst s8  }
0x11: {  	[smem:$0x3FB5] =	sst s9;
	s0 =	simm.s32 @!p0 $0x0  }
0x12: {  	s1 =	sld [smem:$0x3F9B];
	s0 =	simm.s32 @p0 $0x1  }
0x13: {  	[smem:$0x3FB6] =	sst s0;
	s0 =	simm.s32 @!p1 $0x0  }
0x14: {  	s2 =	sld [smem:$0x3F9A];
	s0 =	simm.s32 @p1 $0x1  }
0x15: {  	[smem:$0x3FB7] =	sst s0;
	s0 =	simm.s32 @!p2 $0x0  }
0x16: {  	s3 =	sld [smem:$0x3FDB];
	s0 =	simm.s32 @p2 $0x1  }
0x17: {  	s4 =	simm.s32 $0x1BF5;
	[smem:$0x3FB9] =	sst s0  }
0x18: {  	s0 =	sld [smem:$0x3F9C];
	_ =	swait.ge [sflag:s4], $0x0  }
0x19: {  	s7 =	sld [smem:$0x3F9D]  }
0x1a: {  	s8 =	sadd.s32 $0xFFFFE003, lr  }
0x1b: {  	s9 =	sadd.s32 $0xFFFFFEF7, lr;
	s5 =	simm.s32 $0xFFFFFFFF;
	p2 =	slt.u32 s8, $0xFFFFF086  }
0x1c: {  	p1 =	slt.u32 s9, $0xF7A;
	s5 =	simm.s32 @!p2 $0x0  }
0x1d: {  	s5 =	simm.s32 @p1 $0x1;
	p0 =	seq.s32 s7, s2  }
0x1e: {  	s7 =	smul.u32 @!p0 $0xF7A, s2;
	p2 =	seq.s32 @!p0 s5, $0x0  }
0x1f: {  	s9 =	smul.u32 $0xF7A, s1;
	s8 =	simm.s32 @!p0 $0x1BF5;
	p2 =	por !p2, p0  }
0x20: {  	[sflag:s8] =	ssyncset.s32 @!p0 $0xFFFFF086;
	s6 =	sadd.s32 @!p0 s3, s7;
	s7 =	simm.s32 @!p0 $0x108  }
0x21: {  	s3 =	sadd.s32 s3, s9;
	s6 =	sadd.s32 @!p0 $0x88, s6;
	s7 =	simm.s32 @p2 $0x1082  }
0x22: {  	[simem:s7], [sflag:s8] =	dma.local @!p0 [hbm:s6], $0xF7A  }
0x23: {  	s9 =	sor.u32 $0xD0000000, s2;
	s6 =	simm.s32 $0x108;
	_ =	swait.ge @!p0 [sflag:s8], $0x0  }
0x24: {  	s3 =	sadd.s32 $0x88, s3;
	s6 =	simm.s32 @!p1 $0x1082;
	[sflag:s4] =	ssyncset.s32 $0xFFFFF086  }
0x25: {  	[simem:s6], [sflag:s4] =	dma.local [hbm:s3], $0xF7A  }
0x26: {  	[smem:$0x3F9D] =	sst s1;
	(tag) =	ssettag s2;
	_ =	strace s9  }
0x27: {  	s1 =	sld [smem:$0x3FAD]  }
0x28: {  	s2 =	sld [smem:$0x3FAE]  }
0x29: {  	s4 =	sld [smem:$0x3FB0]  }
0x2a: {  	p0 =	seq.s32 s5, $0x0;
	s5 =	sld [smem:$0x3FB1]  }
0x2b: {  	s6 =	sld [smem:$0x3FB2]  }
0x2c: {  	s7 =	sld [smem:$0x3FB3]  }
0x2d: {  	s3 =	simm.s32 $0x108;
	s8 =	sld [smem:$0x3FB4]  }
0x2e: {  	s3 =	simm.s32 @!p0 $0x1082;
	s9 =	sld [smem:$0x3FB5]  }
0x2f: {  	lr =	sadd.s32 s0, s3;
	s0 =	sld [smem:$0x3FAC]  }
0x30: {  	s3 =	sld [smem:$0x3FAF]  }
0x31: {  	[smem:$0x3FB8] =	sst s10  }
0x32: {  	s10 =	sld [smem:$0x3FB6];
	_ =	sdelay $0x3  }
0x33: {  	p0 =	seq.s32 s10, $0x1;
	s10 =	sld [smem:$0x3FB8];
	_ =	sdelay $0x3  }
0x34: {  	[smem:$0x3FB8] =	sst s10  }
0x35: {  	s10 =	sld [smem:$0x3FB7];
	_ =	sdelay $0x3  }
0x36: {  	p1 =	seq.s32 s10, $0x1;
	s10 =	sld [smem:$0x3FB8];
	_ =	sdelay $0x3  }
0x37: {  	[smem:$0x3FB8] =	sst s10  }
0x38: {  	s10 =	sld [smem:$0x3FB9]  }
0x39: {  	_ = 	snop;
	(pc) =	sbr.ind lr, $3  }
0x3a: {  	_ = 	snop  }
0x3b: {  	_ = 	snop  }
0x3c: {  	p2 =	seq.s32 s10, $0x1;
	s10 =	sld [smem:$0x3FB8]  }
0x3d: {  	_ =	shalt  }
0x3e: {  	_ =	shalt  }
0x3f: {  	_ =	shalt  }
0x40: {  	_ =	shalt  }
0x41: {  	_ =	shalt  }
0x42: {  	_ =	shalt  }
0x43: {  	_ =	shalt  }
0x44: {  	_ =	shalt  }
0x45: {  	_ =	shalt  }
0x46: {  	_ =	shalt  }
0x47: {  	_ =	shalt  }
0x48: {  	_ =	shalt  }
0x49: {  	_ =	shalt  }
0x4a: {  	_ =	shalt  }
0x4b: {  	_ =	shalt  }
0x4c: {  	_ =	shalt  }
0x4d: {  	_ =	shalt  }
0x4e: {  	_ =	shalt  }
0x4f: {  	_ =	shalt  }
0x50: {  	_ =	shalt  }
0x51: {  	_ =	shalt  }
0x52: {  	_ =	shalt  }
0x53: {  	_ =	shalt  }
0x54: {  	_ =	shalt  }
0x55: {  	_ =	shalt  }
0x56: {  	_ =	shalt  }
0x57: {  	_ =	shalt  }
0x58: {  	_ =	shalt  }
0x59: {  	_ =	shalt  }
0x5a: {  	_ =	shalt  }
0x5b: {  	_ =	shalt  }
0x5c: {  	_ =	shalt  }
0x5d: {  	_ =	shalt  }
0x5e: {  	_ =	shalt  }
0x5f: {  	_ =	shalt  }
0x60: {  	_ =	shalt  }
0x61: {  	_ =	shalt  }
0x62: {  	_ =	shalt  }
0x63: {  	_ =	shalt  }
0x64: {  	_ =	shalt  }
0x65: {  	_ =	shalt  }
0x66: {  	_ =	shalt  }
0x67: {  	_ =	shalt  }
0x68: {  	_ =	shalt  }
0x69: {  	_ =	shalt  }
0x6a: {  	_ =	shalt  }
0x6b: {  	_ =	shalt  }
0x6c: {  	_ =	shalt  }
0x6d: {  	_ =	shalt  }
0x6e: {  	_ =	shalt  }
0x6f: {  	_ =	shalt  }
0x70: {  	_ =	shalt  }
0x71: {  	_ =	shalt  }
0x72: {  	_ =	shalt  }
0x73: {  	_ =	shalt  }
0x74: {  	_ =	shalt  }
0x75: {  	_ =	shalt  }
0x76: {  	_ =	shalt  }
0x77: {  	_ =	shalt  }
0x78: {  	_ =	shalt  }
0x79: {  	_ =	shalt  }
0x7a: {  	_ =	shalt  }
0x7b: {  	_ =	shalt  }
0x7c: {  	_ =	shalt  }
0x7d: {  	_ =	shalt  }
0x7e: {  	_ =	shalt  }
0x7f: {  	_ =	shalt  }
0x80: {  	_ =	shalt  }
0x81: {  	_ =	shalt  }
0x82: {  	_ =	shalt  }
0x83: {  	_ =	shalt  }
0x84: {  	_ =	shalt  }
0x85: {  	_ =	shalt  }
0x86: {  	_ =	shalt  }
0x87: {  	_ =	shalt  }
.Lfunc_end0:
.L_simem_size_0:
called_computation_lowered:
.L_overlay_start_0:
0x88: {  	s2 =	sld [smem:$0x3FD9]  }
0x89: {  	s3 =	sld [smem:$0x3FFE];
	_ =	sdelay $0x1  }
0x8a: {  	s1 =	srdreg.scid  }
0x8b: {  	s0 =	sand.u32 $0x1, s1  }
0x8c: {  	s17 =	sshll.u32 s0, $0xA;
	s2 =	sadd.s32 s3, s2  }
0x8d: {  	s2 =	sadd.s32 s2, s17  }
0x8e: {  	[smem:$0x3FC4] =	sst s2  }
0x8f: {  	_ = 	snop  }
0x90: {  	s2 =	sld [smem:$0x3FC9]  }
0x91: {  	s18 =	sld [smem:$0x3FC8]  }
0x92: {  	s4 =	sld [smem:$0x3FC7]  }
0x93: {  	s5 =	sld [smem:$0x3FC6];
	(tm) =	ssettm $0x1  }
0x94: {  	s6 =	sld [smem:$0x3FFB];
	_ =	sdelay $0x3  }
0x95: {  	_ =	strace s6  }
0x96: {  	s6 =	sld [smem:$0x3FFC];
	_ =	sdelay $0x3  }
0x97: {  	_ =	strace s6  }
0x98: {  	s6 =	sld [smem:$0x3FFD];
	_ =	sdelay $0x3  }
0x99: {  	_ =	strace s6  }
0x9a: {  	_ =	strace $0x8FFFFFFF  }
0x9b: {  	s19 =	sld [smem:$0x3FDB];
	_ =	sdelay $0x1  }
0x9c: {  	s7 =	simm.s32 $_scs_section_size  }
0x9d: {  	s8 =	simm.s32 $_size__tile_overlayer_lowered;
	s9 =	simm.s32 $_tile_overlayer_lowered  }
0x9e: {  	s22 =	simm.s32 $0x1BFF;
	s21 =	sshll.u32 s9, $0x1;
	s6 =	sadd.s32 s7, s19  }
0x9f: {  	s10 =	simm.s32 $0x0;
	s20 =	sshll.u32 s8, $0x1;
	s8 =	sadd.s32 s21, s6  }
0xa0: {  	[timem:s10], [sflag:s22] =	dma.local [hbm:s8], s20  }
0xa1: {  	_ =	swait.ge [sflag:s22], s20  }
0xa2: {  	s7 =	ssub.s32 $0x0, s20;
	[sflag:s22] =	ssyncset.done $0x0  }
0xa3: {  	[sflag:s22] =	ssyncadd.s32 s7;
	_ =	sdelay $0x1  }
0xa4: {  	s23 =	simm.s32 $0x1B8B  }
0xa5: {  	_ =	swait.ge [sflag:s23], $0x1  }
0xa6: {  	[sflag:s23] =	ssyncset.done $0x0  }
0xa7: {  	s25 =	simm.s32 $0x1B8E;
	s24 =	sld [smem:$0x3FFE];
	[sflag:s23] =	ssyncadd.s32 $0xFFFFFFFF  }
0xa8: {  	s26 =	simm.s32 $execute0_lowered;
	[smem:$0x3FD2] =	sst s25  }
0xa9: {  	s8 =	sshll.u32 s26, $0x1;
	_ =	strace $0x80000046;
	[dreg:$0x1] =	wrdreg $0xFFFFFFFF  }
0xaa: {  	s28 =	simm.s32 $_size_execute0_lowered;
	s6 =	sadd.s32 s6, s8;
	[dreg:$0x0] =	wrdreg $0x0  }
0xab: {  	s8 =	sshll.u32 s28, $0x1;
	[dreg:$0x2] =	wrdreg s6  }
0xac: {  	[dreg:$0x3] =	wrdreg s8  }
0xad: {  	[dreg:$0x4] =	wrdreg $0xC0  }
0xae: {  	_ =	task [dreg:s10], $0x5FFFF  }
0xaf: {  	[dreg:$0x1] =	wrdreg $0xFFFFFFFF  }
0xb0: {  	[dreg:$0x0] =	wrdreg $0x60  }
0xb1: {  	[dreg:$0x2] =	wrdreg s2  }
0xb2: {  	[dreg:$0x3] =	wrdreg s18  }
0xb3: {  	[dreg:$0x4] =	wrdreg s4  }
0xb4: {  	[dreg:$0x5] =	wrdreg s5  }
0xb5: {  	[dreg:$0x6] =	wrdreg s24  }
0xb6: {  	[dreg:$0x7] =	wrdreg $0x9  }
0xb7: {  	_ =	task.clear_ibuf [dreg:s10], $0x8FFFF;
	_ =	strace $0x90000046  }
0xb8: {  	s29 =	simm.s32 $0x9;
	_ =	strace $0x8000004B  }
0xb9: {  	_ =	swait.ge [sflag:s29], $0x1  }
0xba: {  	[sflag:s29] =	ssyncadd.s32 $0xFFFFFFFF  }
0xbb: {  	_ =	strace $0x9000004B  }
0xbc: {  	_ =	sfence  }
0xbd: {  	s30 =	sld [smem:$0x0];
	_ =	sdelay $0x2  }
0xbe: {  	s31 =	sshll.u32 s1, $0xD;
	s1 =	sshrl.u32 s1, $0x2  }
0xbf: {  	s3 =	sand.u32 $0x4000, s31;
	s1 =	sadd.s32 s1, s30  }
0xc0: {  	s0 =	sor.u32 s3, s0;
	s1 =	sshll.u32 s1, $0x11  }
0xc1: {  	s0 =	sor.u32 s1, s0  }
0xc2: {  	s0 =	sadd.s32 $0x8F2B, s0  }
0xc3: {  	[sflag:s0] =	ssyncadd.remote.s32 $0x1  }
0xc4: {  	_ =	sfence.sel $0xFFFF  }
0xc5: {  	[dreg:$0x0] =	wrdreg $0xFFFFFFFF;
	(pc) =	sbr.abs _section_cstart, $3  }
0xc6: {  	[dreg:$0x1] =	wrdreg $0xFFFFFFFF  }
0xc7: {  	_ =	task.clear_ibuf [dreg:s10], $0x2FFFF;
	_ =	strace $0x9FFFFFFF  }
0xc8: {  	(tm) =	ssettm $0x7FFFFFFF  }
0xc9: {  	_ =	shalt  }
tec
execute0_lowered:
.L_overlay_start_1:
0x0: {  	(tag) =	ssettag $0x1  }
0x1: {  	v0 =	vlaneseq.u32  }
0x2: {  	v0 =	vmul.u32 $0x80, v0;
	_ =	sdelay $0x1  }
0x3: {  	v1 =	vor.u32 $0x1, v0  }
0x4: {  	[tilespmem:$0x1FDA0] =	vst v1;
	v1 =	vor.u32 $0x800, v0  }
0x5: {  	[tilespmem:$0x1FDB0] =	vst v1;
	v1 =	vor.u32 $0x801, v0  }
0x6: {  	[tilespmem:$0x1FDC0] =	vst v1;
	v1 =	vor.u32 $0x1000, v0  }
0x7: {  	[tilespmem:$0x1FDD0] =	vst v1;
	v1 =	vor.u32 $0x1001, v0  }
0x8: {  	[tilespmem:$0x1FDE0] =	vst v1;
	v1 =	vor.u32 $0x1800, v0  }
0x9: {  	[tilespmem:$0x1FDF0] =	vst v1;
	v1 =	vor.u32 $0x1801, v0  }
0xa: {  	[tilespmem:$0x1FE00] =	vst v1;
	v1 =	vor.u32 $0x2000, v0  }
0xb: {  	[tilespmem:$0x1FE10] =	vst v1;
	v1 =	vor.u32 $0x2001, v0  }
0xc: {  	[tilespmem:$0x1FE20] =	vst v1;
	v1 =	vor.u32 $0x2800, v0  }
0xd: {  	[tilespmem:$0x1FE30] =	vst v1;
	v1 =	vor.u32 $0x2801, v0  }
0xe: {  	[tilespmem:$0x1FE40] =	vst v1;
	v1 =	vor.u32 $0x3000, v0  }
0xf: {  	[tilespmem:$0x1FE50] =	vst v1;
	v1 =	vor.u32 $0x3001, v0  }
0x10: {  	[tilespmem:$0x1FE60] =	vst v1;
	v1 =	vor.u32 $0x3800, v0  }
0x11: {  	[tilespmem:$0x1FE70] =	vst v1;
	v1 =	vor.u32 $0x3801, v0  }
0x12: {  	[tilespmem:$0x1FE80] =	vst v1;
	v1 =	vor.u32 $0x4000, v0  }
0x13: {  	[tilespmem:$0x1FE90] =	vst v1;
	v1 =	vor.u32 $0x4001, v0  }
0x14: {  	[tilespmem:$0x1FEA0] =	vst v1;
	v1 =	vor.u32 $0x4800, v0  }
0x15: {  	[tilespmem:$0x1FEB0] =	vst v1;
	v1 =	vor.u32 $0x4801, v0  }
0x16: {  	[tilespmem:$0x1FEC0] =	vst v1;
	v1 =	vor.u32 $0x5000, v0  }
0x17: {  	[tilespmem:$0x1FED0] =	vst v1;
	v1 =	vor.u32 $0x5001, v0  }
0x18: {  	[tilespmem:$0x1FEE0] =	vst v1;
	v1 =	vor.u32 $0x5800, v0  }
0x19: {  	[tilespmem:$0x1FEF0] =	vst v1;
	v1 =	vor.u32 $0x5801, v0  }
0x1a: {  	[tilespmem:$0x1FF00] =	vst v1;
	v1 =	vor.u32 $0x6000, v0  }
0x1b: {  	[tilespmem:$0x1FF10] =	vst v1;
	v1 =	vor.u32 $0x6001, v0  }
0x1c: {  	s5 =	rddreg [dreg:$0x0];
	[tilespmem:$0x1FF20] =	vst v1;
	v1 =	vor.u32 $0x6800, v0  }
0x1d: {  	s6 =	rddreg [dreg:$0x1];
	[tilespmem:$0x1FF30] =	vst v1;
	v1 =	vor.u32 $0x6801, v0  }
0x1e: {  	s0 =	rddreg [dreg:$0x2];
	[tilespmem:$0x1FF40] =	vst v1;
	v1 =	vor.u32 $0x7000, v0  }
0x1f: {  	s1 =	rddreg [dreg:$0x3];
	v39 =	vor.u32 $0x9801, v0;
	v40 =	vor.u32 $0xA000, v0;
	[tilespmem:$0x1FF50] =	vst v1;
	v1 =	vor.u32 $0x7001, v0  }
0x20: {  	s7 =	rddreg [dreg:$0x4];
	v41 =	vor.u32 $0xA001, v0;
	v42 =	vor.u32 $0xA800, v0;
	[tilespmem:$0x1FF60] =	vst v1;
	v1 =	vor.u32 $0x7800, v0  }
0x21: {  	s2 =	rddreg [dreg:$0x5];
	s8 =	srdreg.scid;
	v43 =	vor.u32 $0xA801, v0;
	v44 =	vor.u32 $0xB000, v0;
	[tilespmem:$0x1FF70] =	vst v1;
	v1 =	vor.u32 $0x7801, v0  }
0x22: {  	s4 =	simm.s32 $0x0;
	s3 =	stileid.u32;
	s12 =	simm.s32 $0x1;
	v45 =	vor.u32 $0xB001, v0;
	v46 =	vor.u32 $0xB800, v0;
	[tilespmem:$0x1FF80] =	vst v1;
	v1 =	vor.u32 $0x8000, v0  }
0x23: {  	s13 =	simm.s32 $0x2;
	s14 =	simm.s32 $0x3;
	s15 =	simm.s32 $0x4;
	v47 =	vor.u32 $0xB801, v0;
	v48 =	vor.u32 $0xC000, v0;
	[tilespmem:$0x1FF90] =	vst v1;
	v1 =	vor.u32 $0x8001, v0  }
0x24: {  	s16 =	simm.s32 $0x880;
	s17 =	simm.s32 $0x5;
	s8 =	sand.u32 $0x1, s8;
	v49 =	vor.u32 $0xC001, v0;
	v50 =	vor.u32 $0xC800, v0;
	[tilespmem:$0x1FFA0] =	vst v1;
	v1 =	vor.u32 $0x8800, v0  }
0x25: {  	s10 =	sshll.u32 s3, $0x9;
	s9 =	sshll.u32 s8, $0xD;
	s8 =	ssub.s32 $0x2, s8;
	v51 =	vor.u32 $0xC801, v0;
	v52 =	vor.u32 $0xD000, v0;
	[tilespmem:$0x1FFB0] =	vst v1;
	v1 =	vor.u32 $0x8801, v0  }
0x26: {  	[smem:$0x7FF] =	sst s4;
	s9 =	sor.u32 s10, s9;
	s11 =	sshrl.u32 s8, $0x1;
	v53 =	vor.u32 $0xD001, v0;
	v54 =	vor.u32 $0xD800, v0;
	[tilespmem:$0x1FFC0] =	vst v1;
	v1 =	vor.u32 $0x9000, v0  }
0x27: {  	v55 =	vor.u32 $0xD801, v0;
	v56 =	vor.u32 $0xE000, v0;
	s10 =	sshll.u32 s9, $0x4;
	s9 =	sshrl.u32 s9, $0x3;
	s8 =	ssub.s32 s8, s11;
	[tilespmem:$0x1FFD0] =	vst v1;
	v1 =	vor.u32 $0x9001, v0  }
0x28: {  	v57 =	vor.u32 $0xE001, v0;
	v58 =	vor.u32 $0xE800, v0;
	s11 =	simm.s32 $0x200;
	s7 =	sadd.s32 s10, s7;
	s5 =	sadd.s32 s5, s9;
	[tilespmem:$0x1FFE0] =	vst v1;
	v1 =	vor.u32 $0x9800, v0  }
0x29: {  	v59 =	vor.u32 $0xE801, v0;
	v60 =	vor.u32 $0xF000, v0;
	v61 =	vor.u32 $0xF001, v0;
	s6 =	sadd.s32 s6, s9;
	s8 =	smax.u32 s8, $0x1;
	s9 =	simm.s32 $0x400;
	[tilespmem:$0x1FFF0] =	vst v1  }
0x2a: {  	v62 =	vor.u32 $0xF800, v0;
	v63 =	vor.u32 $0xF801, v0;
	s10 =	simm.s32 $0x800;
	s7 =	sadd.s32 $0x400, s7;
	_ =	strace $0x80000047  }
.LBB2_1:
0x2b: {  	_ =	strace $0x80000048  }
0x2c: {  	[tilespmem:s9], [sflag:$0x1] =	stream.linear.gather [hbm4b:s0+s4], $0x3E8, $0x200038;
	[tilespmem:$0x10880] =	vst v63  }
0x2d: {  	_ = 	snop  }
0x2e: {  	[tilespmem:s10], [sflag:$0x2] =	stream.linear.gather [hbm4b:s1+s4], $0x80, $0x200038;
	[tilespmem:$0x10880] =	vst v63  }
0x2f: {  	_ = 	snop  }
0x30: {  	[tilespmem:s4], [sflag:$0x3] =	stream.linear.gather [hbm4b:s5+s4], $0x200, $0x200038;
	[tilespmem:$0x10880] =	vst v63  }
0x31: {  	_ = 	snop  }
0x32: {  	[tilespmem:s11], [sflag:$0x4] =	stream.linear.gather [hbm4b:s6+s4], $0x200, $0x200038;
	[tilespmem:$0x10880] =	vst v63  }
0x33: {  	_ =	swait.ge [sflag:s12], $0x3E8  }
0x34: {  	[sflag:s12] =	ssyncset.done $0x0  }
0x35: {  	[sflag:s12] =	ssyncadd.s32 $0xFFFFFC18  }
0x36: {  	_ =	swait.ge [sflag:s13], $0x80  }
0x37: {  	[sflag:s13] =	ssyncset.done $0x0  }
0x38: {  	[sflag:s13] =	ssyncadd.s32 $0xFFFFFF80  }
0x39: {  	_ =	swait.ge [sflag:s14], $0x200  }
0x3a: {  	[sflag:s14] =	ssyncset.done $0x0  }
0x3b: {  	[sflag:s14] =	ssyncadd.s32 $0xFFFFFE00  }
0x3c: {  	_ =	swait.ge [sflag:s15], $0x200  }
0x3d: {  	[sflag:s15] =	ssyncset.done $0x0  }
0x3e: {  	[sflag:s15] =	ssyncadd.s32 $0xFFFFFE00  }
0x3f: {  	_ =	strace $0x90000048  }
0x40: {  	_ =	strace $0x80000049  }
0x41: {  	v1 =	vld [tilespmem:$0x0]  }
0x42: {  	v2 =	vld [tilespmem:$0x200]  }
0x43: {  	v3 =	vld [tilespmem:$0x10]  }
0x44: {  	v4 =	vld [tilespmem:$0x210]  }
0x45: {  	v5 =	vld [tilespmem:$0x20]  }
0x46: {  	v6 =	vld [tilespmem:$0x220]  }
0x47: {  	v7 =	vld [tilespmem:$0x30]  }
0x48: {  	v8 =	vld [tilespmem:$0x230]  }
0x49: {  	v9 =	vld [tilespmem:$0x40]  }
0x4a: {  	v10 =	vld [tilespmem:$0x240]  }
0x4b: {  	v11 =	vld [tilespmem:$0x50]  }
0x4c: {  	v12 =	vld [tilespmem:$0x250]  }
0x4d: {  	v13 =	vld [tilespmem:$0x60]  }
0x4e: {  	v14 =	vld [tilespmem:$0x260]  }
0x4f: {  	v15 =	vld [tilespmem:$0x70]  }
0x50: {  	v16 =	vld [tilespmem:$0x270]  }
0x51: {  	v17 =	vld [tilespmem:$0x80]  }
0x52: {  	v18 =	vld [tilespmem:$0x280]  }
0x53: {  	v19 =	vld [tilespmem:$0x90]  }
0x54: {  	v20 =	vld [tilespmem:$0x290]  }
0x55: {  	v21 =	vld [tilespmem:$0xA0]  }
0x56: {  	v22 =	vld [tilespmem:$0x2A0]  }
0x57: {  	v23 =	vld [tilespmem:$0xB0]  }
0x58: {  	v24 =	vld [tilespmem:$0x2B0]  }
0x59: {  	v25 =	vld [tilespmem:$0xC0]  }
0x5a: {  	v26 =	vld [tilespmem:$0x2C0]  }
0x5b: {  	v27 =	vld [tilespmem:$0xD0]  }
0x5c: {  	v28 =	vld [tilespmem:$0x2D0]  }
0x5d: {  	v29 =	vld [tilespmem:$0xE0]  }
0x5e: {  	v30 =	vld [tilespmem:$0x2E0]  }
0x5f: {  	v31 =	vld [tilespmem:$0xF0]  }
0x60: {  	v32 =	vld [tilespmem:$0x2F0]  }
0x61: {  	v33 =	vld [tilespmem:$0x100]  }
0x62: {  	v34 =	vld [tilespmem:$0x300]  }
0x63: {  	v35 =	vld [tilespmem:$0x110]  }
0x64: {  	v38 =	vld [tilespmem:$0x1FDA0]  }
0x65: {  	v36 =	vld [tilespmem:$0x310]  }
0x66: {  	v1 =	vld.idx.msk [tilespmem:v1+s9+$0x0], $0xffff  }
0x67: {  	v2 =	vld.idx.msk [tilespmem:v2+s10+$0x0], $0xffff  }
0x68: {  	v37 =	vld [tilespmem:$0x120]  }
0x69: {  	v3 =	vld.idx.msk [tilespmem:v3+s9+$0x0], $0xffff  }
0x6a: {  	v4 =	vld.idx.msk [tilespmem:v4+s10+$0x0], $0xffff  }
0x6b: {  	v5 =	vld.idx.msk [tilespmem:v5+s9+$0x0], $0xffff;
	[tilespmem:v0+s16+$0x0] =	vst.idx.msk $0xffff, v1  }
0x6c: {  	[tilespmem:v38+s16+$0x0] =	vst.idx.msk $0xffff, v2;
	v38 =	vld [tilespmem:$0x1FDB0]  }
0x6d: {  	v6 =	vld.idx.msk [tilespmem:v6+s10+$0x0], $0xffff  }
0x6e: {  	v7 =	vld.idx.msk [tilespmem:v7+s9+$0x0], $0xffff  }
0x6f: {  	v8 =	vld.idx.msk [tilespmem:v8+s10+$0x0], $0xffff  }
0x70: {  	v9 =	vld.idx.msk [tilespmem:v9+s9+$0x0], $0xffff  }
0x71: {  	v10 =	vld.idx.msk [tilespmem:v10+s10+$0x0], $0xffff  }
0x72: {  	v11 =	vld.idx.msk [tilespmem:v11+s9+$0x0], $0xffff  }
0x73: {  	v12 =	vld.idx.msk [tilespmem:v12+s10+$0x0], $0xffff  }
0x74: {  	[tilespmem:v38+s16+$0x0] =	vst.idx.msk $0xffff, v3;
	v38 =	vld [tilespmem:$0x1FDC0]  }
0x75: {  	v13 =	vld.idx.msk [tilespmem:v13+s9+$0x0], $0xffff  }
0x76: {  	v14 =	vld.idx.msk [tilespmem:v14+s10+$0x0], $0xffff  }
0x77: {  	v15 =	vld.idx.msk [tilespmem:v15+s9+$0x0], $0xffff  }
0x78: {  	v16 =	vld.idx.msk [tilespmem:v16+s10+$0x0], $0xffff  }
0x79: {  	v17 =	vld.idx.msk [tilespmem:v17+s9+$0x0], $0xffff  }
0x7a: {  	v18 =	vld.idx.msk [tilespmem:v18+s10+$0x0], $0xffff  }
0x7b: {  	v19 =	vld.idx.msk [tilespmem:v19+s9+$0x0], $0xffff  }
0x7c: {  	[tilespmem:v38+s16+$0x0] =	vst.idx.msk $0xffff, v4;
	v38 =	vld [tilespmem:$0x1FDD0]  }
0x7d: {  	v20 =	vld.idx.msk [tilespmem:v20+s10+$0x0], $0xffff  }
0x7e: {  	v21 =	vld.idx.msk [tilespmem:v21+s9+$0x0], $0xffff  }
0x7f: {  	v22 =	vld.idx.msk [tilespmem:v22+s10+$0x0], $0xffff  }
0x80: {  	v23 =	vld.idx.msk [tilespmem:v23+s9+$0x0], $0xffff  }
0x81: {  	v24 =	vld.idx.msk [tilespmem:v24+s10+$0x0], $0xffff  }
0x82: {  	v25 =	vld.idx.msk [tilespmem:v25+s9+$0x0], $0xffff  }
0x83: {  	v26 =	vld.idx.msk [tilespmem:v26+s10+$0x0], $0xffff  }
0x84: {  	[tilespmem:v38+s16+$0x0] =	vst.idx.msk $0xffff, v5;
	v38 =	vld [tilespmem:$0x1FDE0]  }
0x85: {  	v27 =	vld.idx.msk [tilespmem:v27+s9+$0x0], $0xffff  }
0x86: {  	v1 =	vld [tilespmem:$0x320]  }
0x87: {  	v28 =	vld.idx.msk [tilespmem:v28+s10+$0x0], $0xffff  }
0x88: {  	v29 =	vld.idx.msk [tilespmem:v29+s9+$0x0], $0xffff  }
0x89: {  	v30 =	vld.idx.msk [tilespmem:v30+s10+$0x0], $0xffff  }
0x8a: {  	v31 =	vld.idx.msk [tilespmem:v31+s9+$0x0], $0xffff  }
0x8b: {  	v32 =	vld.idx.msk [tilespmem:v32+s10+$0x0], $0xffff  }
0x8c: {  	[tilespmem:v38+s16+$0x0] =	vst.idx.msk $0xffff, v6;
	v38 =	vld [tilespmem:$0x1FDF0]  }
0x8d: {  	v2 =	vld [tilespmem:$0x130]  }
0x8e: {  	v1 =	vld.idx.msk [tilespmem:v1+s10+$0x0], $0xffff  }
0x8f: {  	v3 =	vld [tilespmem:$0x330]  }
0x90: {  	v5 =	vld.idx.msk [tilespmem:v34+s10+$0x0], $0xffff  }
0x91: {  	v34 =	vld [tilespmem:$0x1FE70]  }
0x92: {  	v6 =	vld.idx.msk [tilespmem:v35+s9+$0x0], $0xffff  }
0x93: {  	v35 =	vld [tilespmem:$0x1FE80]  }
0x94: {  	[tilespmem:v38+s16+$0x0] =	vst.idx.msk $0xffff, v7;
	v7 =	vld.idx.msk [tilespmem:v36+s10+$0x0], $0xffff  }
0x95: {  	v36 =	vld [tilespmem:$0x1FE00]  }
0x96: {  	v2 =	vld.idx.msk [tilespmem:v2+s9+$0x0], $0xffff  }
0x97: {  	v4 =	vld.idx.msk [tilespmem:v33+s9+$0x0], $0xffff  }
0x98: {  	v38 =	vld [tilespmem:$0x1FE10]  }
0x99: {  	v3 =	vld.idx.msk [tilespmem:v3+s10+$0x0], $0xffff  }
0x9a: {  	[tilespmem:v34+s16+$0x0] =	vst.idx.msk $0xffff, v15;
	v15 =	vld [tilespmem:$0x170]  }
0x9b: {  	v33 =	vld [tilespmem:$0x1FE60]  }
0x9c: {  	[tilespmem:v35+s16+$0x0] =	vst.idx.msk $0xffff, v16;
	v35 =	vld [tilespmem:$0x1FED0]  }
0x9d: {  	[tilespmem:v36+s16+$0x0] =	vst.idx.msk $0xffff, v8;
	v36 =	vld [tilespmem:$0x1FE20]  }
0x9e: {  	v8 =	vld.idx.msk [tilespmem:v37+s9+$0x0], $0xffff  }
0x9f: {  	v37 =	vld [tilespmem:$0x1FE30]  }
0xa0: {  	[tilespmem:v38+s16+$0x0] =	vst.idx.msk $0xffff, v9;
	v38 =	vld [tilespmem:$0x1FE40]  }
0xa1: {  	v34 =	vld [tilespmem:$0x1FEC0]  }
0xa2: {  	v15 =	vld.idx.msk [tilespmem:v15+s9+$0x0], $0xffff  }
0xa3: {  	v9 =	vld [tilespmem:$0x140]  }
0xa4: {  	[tilespmem:v35+s16+$0x0] =	vst.idx.msk $0xffff, v21;
	v21 =	vld [tilespmem:$0x1FF20]  }
0xa5: {  	[tilespmem:v36+s16+$0x0] =	vst.idx.msk $0xffff, v10;
	v10 =	vld [tilespmem:$0x340]  }
0xa6: {  	v36 =	vld [tilespmem:$0x1FE90]  }
0xa7: {  	[tilespmem:v37+s16+$0x0] =	vst.idx.msk $0xffff, v11;
	v11 =	vld [tilespmem:$0x150]  }
0xa8: {  	[tilespmem:v38+s16+$0x0] =	vst.idx.msk $0xffff, v12;
	v12 =	vld [tilespmem:$0x1FE50]  }
0xa9: {  	v35 =	vld [tilespmem:$0x1B0]  }
0xaa: {  	v37 =	vld [tilespmem:$0x1FEA0]  }
0xab: {  	v38 =	vld [tilespmem:$0x1FEB0]  }
0xac: {  	v9 =	vld.idx.msk [tilespmem:v9+s9+$0x0], $0xffff  }
0xad: {  	v10 =	vld.idx.msk [tilespmem:v10+s10+$0x0], $0xffff  }
0xae: {  	[tilespmem:v36+s16+$0x0] =	vst.idx.msk $0xffff, v17;
	v36 =	vld [tilespmem:$0x1FEE0]  }
0xaf: {  	v11 =	vld.idx.msk [tilespmem:v11+s9+$0x0], $0xffff  }
0xb0: {  	[tilespmem:v12+s16+$0x0] =	vst.idx.msk $0xffff, v13;
	v12 =	vld [tilespmem:$0x350]  }
0xb1: {  	v13 =	vld [tilespmem:$0x160]  }
0xb2: {  	[tilespmem:v37+s16+$0x0] =	vst.idx.msk $0xffff, v18;
	v37 =	vld [tilespmem:$0x1FEF0]  }
0xb3: {  	[tilespmem:v38+s16+$0x0] =	vst.idx.msk $0xffff, v19;
	v38 =	vld [tilespmem:$0x1FF00]  }
0xb4: {  	v19 =	vld [tilespmem:$0x190]  }
0xb5: {  	[tilespmem:v33+s16+$0x0] =	vst.idx.msk $0xffff, v14;
	v14 =	vld [tilespmem:$0x360]  }
0xb6: {  	v33 =	vld [tilespmem:$0x370]  }
0xb7: {  	[tilespmem:v34+s16+$0x0] =	vst.idx.msk $0xffff, v20;
	v20 =	vld [tilespmem:$0x1FF10]  }
0xb8: {  	[tilespmem:v36+s16+$0x0] =	vst.idx.msk $0xffff, v22;
	v22 =	vld [tilespmem:$0x1FF30]  }
0xb9: {  	v34 =	vld [tilespmem:$0x1FFA0]  }
0xba: {  	v36 =	vld [tilespmem:$0x1FFB0]  }
0xbb: {  	[tilespmem:v37+s16+$0x0] =	vst.idx.msk $0xffff, v23;
	v23 =	vld [tilespmem:$0x1FF40]  }
0xbc: {  	v12 =	vld.idx.msk [tilespmem:v12+s10+$0x0], $0xffff  }
0xbd: {  	v13 =	vld.idx.msk [tilespmem:v13+s9+$0x0], $0xffff  }
0xbe: {  	v37 =	vld [tilespmem:$0x3B0]  }
0xbf: {  	[tilespmem:v20+s16+$0x0] =	vst.idx.msk $0xffff, v25;
	v25 =	vld [tilespmem:$0x1FF50]  }
0xc0: {  	[tilespmem:v22+s16+$0x0] =	vst.idx.msk $0xffff, v27;
	v27 =	vld [tilespmem:$0x1FF60]  }
0xc1: {  	v14 =	vld.idx.msk [tilespmem:v14+s10+$0x0], $0xffff  }
0xc2: {  	v16 =	vld.idx.msk [tilespmem:v33+s10+$0x0], $0xffff  }
0xc3: {  	[tilespmem:v23+s16+$0x0] =	vst.idx.msk $0xffff, v28;
	v28 =	vld [tilespmem:$0x1FF70]  }
0xc4: {  	[tilespmem:v38+s16+$0x0] =	vst.idx.msk $0xffff, v24;
	v24 =	vld [tilespmem:$0x180]  }
0xc5: {  	v33 =	vld [tilespmem:$0x3A0]  }
0xc6: {  	[tilespmem:v21+s16+$0x0] =	vst.idx.msk $0xffff, v26;
	v26 =	vld [tilespmem:$0x380]  }
0xc7: {  	[tilespmem:v25+s16+$0x0] =	vst.idx.msk $0xffff, v29;
	v25 =	vld [tilespmem:$0x1FFD0]  }
0xc8: {  	[tilespmem:v27+s16+$0x0] =	vst.idx.msk $0xffff, v30;
	v30 =	vld [tilespmem:$0x1FF80]  }
0xc9: {  	v27 =	vld [tilespmem:$0x1FFE0]  }
0xca: {  	[tilespmem:v40+s16+$0x0] =	vst.idx.msk $0xffff, v9;
	v29 =	vld [tilespmem:$0x390]  }
0xcb: {  	[tilespmem:v28+s16+$0x0] =	vst.idx.msk $0xffff, v31;
	v28 =	vld [tilespmem:$0x1FFF0]  }
0xcc: {  	[tilespmem:v41+s16+$0x0] =	vst.idx.msk $0xffff, v10;
	v38 =	vld [tilespmem:$0x1FFC0]  }
0xcd: {  	[tilespmem:v42+s16+$0x0] =	vst.idx.msk $0xffff, v11;
	v31 =	vld [tilespmem:$0x1A0]  }
0xce: {  	[tilespmem:v46+s16+$0x0] =	vst.idx.msk $0xffff, v15;
	v24 =	vld.idx.msk [tilespmem:v24+s9+$0x0], $0xffff  }
0xcf: {  	v26 =	vld.idx.msk [tilespmem:v26+s10+$0x0], $0xffff;
	[tilespmem:v25+s16+$0x0] =	vst.idx.msk $0xffff, v8  }
0xd0: {  	[tilespmem:v30+s16+$0x0] =	vst.idx.msk $0xffff, v32;
	v32 =	vld [tilespmem:$0x1FF90]  }
0xd1: {  	[tilespmem:v27+s16+$0x0] =	vst.idx.msk $0xffff, v1;
	v1 =	vld.idx.msk [tilespmem:v19+s9+$0x0], $0xffff  }
0xd2: {  	[tilespmem:v43+s16+$0x0] =	vst.idx.msk $0xffff, v12;
	v30 =	vld [tilespmem:$0x3C0]  }
0xd3: {  	[tilespmem:v28+s16+$0x0] =	vst.idx.msk $0xffff, v2;
	v2 =	vld.idx.msk [tilespmem:v29+s10+$0x0], $0xffff  }
0xd4: {  	[tilespmem:v44+s16+$0x0] =	vst.idx.msk $0xffff, v13;
	v29 =	vld [tilespmem:$0x1C0]  }
0xd5: {  	[tilespmem:v39+s16+$0x0] =	vst.idx.msk $0xffff, v3;
	v3 =	vld.idx.msk [tilespmem:v31+s9+$0x0], $0xffff  }
0xd6: {  	[tilespmem:v45+s16+$0x0] =	vst.idx.msk $0xffff, v14;
	v31 =	vld [tilespmem:$0x1D0]  }
0xd7: {  	[tilespmem:v50+s16+$0x0] =	vst.idx.msk $0xffff, v1;
	v1 =	vld [tilespmem:$0x3F0]  }
0xd8: {  	[tilespmem:v32+s16+$0x0] =	vst.idx.msk $0xffff, v4;
	v4 =	vld.idx.msk [tilespmem:v33+s10+$0x0], $0xffff  }
0xd9: {  	[tilespmem:v47+s16+$0x0] =	vst.idx.msk $0xffff, v16;
	v32 =	vld [tilespmem:$0x3D0]  }
0xda: {  	[tilespmem:v36+s16+$0x0] =	vst.idx.msk $0xffff, v6;
	v33 =	vld [tilespmem:$0x1E0]  }
0xdb: {  	[tilespmem:v34+s16+$0x0] =	vst.idx.msk $0xffff, v5;
	v5 =	vld.idx.msk [tilespmem:v35+s9+$0x0], $0xffff  }
0xdc: {  	[tilespmem:v38+s16+$0x0] =	vst.idx.msk $0xffff, v7;
	v34 =	vld [tilespmem:$0x3E0]  }
0xdd: {  	[tilespmem:v48+s16+$0x0] =	vst.idx.msk $0xffff, v24;
	v35 =	vld [tilespmem:$0x1F0]  }
0xde: {  	[tilespmem:v51+s16+$0x0] =	vst.idx.msk $0xffff, v2;
	v2 =	vld.idx.msk [tilespmem:v29+s9+$0x0], $0xffff  }
0xdf: {  	v6 =	vld.idx.msk [tilespmem:v37+s10+$0x0], $0xffff;
	[tilespmem:v49+s16+$0x0] =	vst.idx.msk $0xffff, v26  }
0xe0: {  	[tilespmem:v52+s16+$0x0] =	vst.idx.msk $0xffff, v3;
	v3 =	vld.idx.msk [tilespmem:v30+s10+$0x0], $0xffff  }
0xe1: {  	v36 =	vld.idx.msk [tilespmem:v31+s9+$0x0], $0xffff;
	[tilespmem:v53+s16+$0x0] =	vst.idx.msk $0xffff, v4  }
0xe2: {  	[tilespmem:v54+s16+$0x0] =	vst.idx.msk $0xffff, v5;
	v37 =	vld.idx.msk [tilespmem:v32+s10+$0x0], $0xffff  }
0xe3: {  	[tilespmem:v56+s16+$0x0] =	vst.idx.msk $0xffff, v2;
	v38 =	vld.idx.msk [tilespmem:v33+s9+$0x0], $0xffff  }
0xe4: {  	[tilespmem:v55+s16+$0x0] =	vst.idx.msk $0xffff, v6;
	v2 =	vld.idx.msk [tilespmem:v34+s10+$0x0], $0xffff  }
0xe5: {  	[tilespmem:v57+s16+$0x0] =	vst.idx.msk $0xffff, v3;
	v3 =	vld.idx.msk [tilespmem:v35+s9+$0x0], $0xffff  }
0xe6: {  	v1 =	vld.idx.msk [tilespmem:v1+s10+$0x0], $0xffff;
	[tilespmem:v58+s16+$0x0] =	vst.idx.msk $0xffff, v36  }
0xe7: {  	[tilespmem:v59+s16+$0x0] =	vst.idx.msk $0xffff, v37  }
0xe8: {  	[tilespmem:v60+s16+$0x0] =	vst.idx.msk $0xffff, v38  }
0xe9: {  	[tilespmem:v61+s16+$0x0] =	vst.idx.msk $0xffff, v2  }
0xea: {  	[tilespmem:v62+s16+$0x0] =	vst.idx.msk $0xffff, v3  }
0xeb: {  	[tilespmem:v63+s16+$0x0] =	vst.idx.msk $0xffff, v1  }
0xec: {  	_ =	strace $0x90000049  }
0xed: {  	p0 =	sne.s32 s8, $0x1;
	_ =	strace $0x8000004A  }
0xee: {  	[hbm4b:s7+s4] =	stream.linear.scatter [tilespmem:s16], [sflag:$0x5], $0x10000, $0x200038;
	[tilespmem:$0x10880] =	vst v63  }
.Ltmp0:
0xef: {  	_ = 	snop;
	(pc) =	sbr.rel @p0 .LBB2_1-.Ltmp0, $4  }
0xf0: {  	_ =	swait.ge [sflag:s17], $0x10000  }
0xf1: {  	[sflag:s17] =	ssyncset.done $0x0  }
0xf2: {  	[sflag:s17] =	ssyncadd.s32 $0xFFFF0000  }
0xf3: {  	s8 =	sadd.s32 $0xFFFFFFFF, s8;
	_ =	strace $0x9000004A  }
0xf4: {  	_ =	sfence.sel $0x180000  }
0xf5: {  	[bflag:$0x0] =	sbarrier.arrive $0xFFFF  }
0xf6: {  	p0 =	sne.s32 s3, $0x0;
	_ =	strace $0x90000047  }
0xf7: {  	s0 =	sadd.s32 @!p0 $0x100000, s2;
	[bflag:$0x2] =	sbarrier.arrive $0xFFFF  }
0xf8: {  	[sflag:s0] =	ssyncadd.tile.s32 @!p0 $0x1;
	_ =	shalt  }
.Lfunc_end2:
_tile_overlayer_lowered:
.L_overlay_start_2:
0xf9: {  	(tag) =	ssettag $0x2  }
0xfa: {  	s0 =	rddreg [dreg:$0x0];
	s2 =	stileid.u32  }
0xfb: {  	s1 =	rddreg [dreg:$0x1];
	p0 =	sne.s32 s2, $0x0  }
0xfc: {  	s3 =	rddreg [dreg:$0x2];
	[bflag:$0x3] =	sbarrier.arrive $0xFFFF;
	s2 =	simm.s32 @!p0 $0x1C05  }
0xfd: {  	[timem:s3], [sflag:s2] =	dma.local @!p0 [hbm:s0], s1  }
0xfe: {  	s0 =	simm.s32 @!p0 $0x5  }
0xff: {  	_ =	swait.ge @!p0 [sflag:s0], s1  }
0x100: {  	s1 =	ssub.s32 @!p0 $0x0, s1;
	[sflag:s0] =	ssyncset.done @!p0 $0x0  }
0x101: {  	[sflag:s0] =	ssyncadd.s32 @!p0 s1  }
0x102: {  	[bflag:$0x3] =	sbarrier.arrive $0xFFFF  }
0x103: {  	_ =	shalt  }

</sc_bundles>
